<compile_context>
chip_gen: v7x
topology: tpu7x:2x2x1
jax: 0.10.2.dev20260603
libtpu: 0.0.44.dev20260713+nightly
codegen_flags: <defaults>
</compile_context>

<pallas_src>
import functools

import jax
import jax.numpy as jnp
from jax import lax
from jax.experimental import pallas as pl
from jax.experimental.pallas import tpu as pltpu
from jax.experimental.pallas import tpu_sc as plsc


def _copy_body(src, dst):
    dst[...] = src[...]


def _tc_copy(x, max_grid=20):
    rows, cols = x.shape
    g = 1
    for cand in range(max_grid, 0, -1):
        if rows % cand == 0 and (rows // cand) % 8 == 0:
            g = cand
            break
    b = rows // g
    return pl.pallas_call(
        _copy_body,
        grid=(g,),
        in_specs=(pl.BlockSpec((b, cols), lambda i: (i, 0)),),
        out_specs=pl.BlockSpec((b, cols), lambda i: (i, 0)),
        out_shape=jax.ShapeDtypeStruct((rows, cols), x.dtype),
    )(x)


def _sc_copy(x, chunk_target=2000):
    rows, cols = x.shape
    nw = 32
    if rows % nw != 0:
        return None
    rows_w = rows // nw

    chunk = 0
    for cand in range(min(chunk_target, rows_w), 0, -1):
        if rows_w % cand == 0 and cand % 8 == 0:
            chunk = cand
            break
    if chunk == 0 or rows_w % 8 != 0:
        return None
    nchunks = rows_w // chunk

    mesh = plsc.VectorSubcoreMesh(core_axis_name="c", subcore_axis_name="s")

    @functools.partial(
        pl.kernel,
        out_type=jax.ShapeDtypeStruct((rows, cols), x.dtype),
        mesh=mesh,
        compiler_params=pltpu.CompilerParams(use_tc_tiling_on_sc=False),
        scratch_types=[
            pltpu.VMEM((chunk, cols), x.dtype),
            pltpu.VMEM((chunk, cols), x.dtype),
            pltpu.SemaphoreType.DMA,
            pltpu.SemaphoreType.DMA,
            pltpu.SemaphoreType.DMA,
            pltpu.SemaphoreType.DMA,
        ],
    )
    def sc_copy(src_hbm, dst_hbm, buf0, buf1, lsem0, lsem1, ssem0, ssem1):
        wid = lax.axis_index("s") * 2 + lax.axis_index("c")
        base = wid * rows_w
        bufs = (buf0, buf1)
        lsems = (lsem0, lsem1)
        ssems = (ssem0, ssem1)

        def load(k):
            return pltpu.make_async_copy(
                src_hbm.at[pl.ds(base + k * chunk, chunk)],
                bufs[k % 2],
                lsems[k % 2],
            )

        def store(k):
            return pltpu.make_async_copy(
                bufs[k % 2],
                dst_hbm.at[pl.ds(base + k * chunk, chunk)],
                ssems[k % 2],
            )

        load(0).start()
        for k in range(nchunks):
            load(k).wait()
            store(k).start()
            if k + 1 < nchunks:
                if k >= 1:
                    store(k - 1).wait()
                load(k + 1).start()
        if nchunks >= 2:
            store(nchunks - 2).wait()
        store(nchunks - 1).wait()

    return sc_copy(x)


def kernel(node_latents_from, node_latents_to, edge_latents, edge_index, receivers_count):
    node_copy = _tc_copy(node_latents_to)
    edge_copy = _sc_copy(edge_latents)
    if edge_copy is None:
        edge_copy = _tc_copy(edge_latents)
    return (node_copy, edge_copy)

# --- scband reference (transcript-rebuilt; emitter-appended) ---
"""Pipeline reference for scband-message-passing-jax-17901423689758 (READ-ONLY COPY).

The authoritative reference and input builder live on the scoring server;
editing this copy changes nothing except your own understanding.
"""

import jax, jax.numpy as jnp
import numpy as np


def setup_inputs(seed: int = 0) -> dict:
    key = jax.random.key(seed)
    k1, k2, k3, k4 = jax.random.split(key, 4)
    n_nodes = 10000
    n_edges = 320000
    d_feat = 128
    d_edge = 16
    node_latents_from = jax.random.normal(k1, (n_nodes, d_feat), dtype=jnp.float32)
    node_latents_to = jax.random.normal(k2, (n_nodes, d_feat), dtype=jnp.float32)
    edge_latents = jax.random.normal(k3, (n_edges, d_edge), dtype=jnp.float32)
    edge_index = jax.random.randint(k4, (2, n_edges), 0, n_nodes, dtype=jnp.int64)
    receivers_count = n_nodes
    return {
        "node_latents_from": node_latents_from,
        "node_latents_to": node_latents_to,
        "edge_latents": edge_latents,
        "edge_index": edge_index,
        "receivers_count": receivers_count,
    }


def reference(node_latents_from, node_latents_to, edge_latents, edge_index, receivers_count):
    # Faithful translation of MessagePassingJax.propagate with the base-class
    # default get_edge_inputs / message / aggregate / update implementations.
    senders = edge_index[0]
    receivers = edge_index[1]
    # gather sender / receiver node latents (memory-bound gathers)
    node_latents_senders = jnp.take(node_latents_from, senders, axis=0)
    node_latents_receivers = jnp.take(node_latents_to, receivers, axis=0)
    # get_edge_inputs: base class ignores gathered node latents, returns edge_latents
    _ = (node_latents_senders, node_latents_receivers)
    edge_inputs = edge_latents
    # message: identity
    new_edge_latents = edge_inputs
    # aggregate: base class identity (ignores receivers, receivers_count)
    aggregated_edge_latents = new_edge_latents
    # update: base class returns node_latents_to unchanged
    _ = aggregated_edge_latents
    new_node_latents = node_latents_to
    return (new_node_latents, edge_latents)

if __name__ == "__main__":
    import jax
    _d = setup_inputs()
    print(jax.jit(kernel)(*tuple(_d.values())))

</pallas_src>

<mosaic_0001>
#map = affine_map<(d0, d1) -> (0, 0)>
module attributes {stable_mosaic.version = 14 : i64} {
  func.func @sc_copy(%arg0: i32, %arg1: i32, %arg2: memref<320000x16xf32, #tpu.memory_space<hbm>>, %arg3: memref<320000x16xf32, #tpu.memory_space<hbm>>, %arg4: memref<2000x16xf32, #tpu.memory_space<vmem>>, %arg5: memref<2000x16xf32, #tpu.memory_space<vmem>>, %arg6: memref<!tpu.dma_semaphore, #tpu.memory_space<semaphore_mem>>, %arg7: memref<!tpu.dma_semaphore, #tpu.memory_space<semaphore_mem>>, %arg8: memref<!tpu.dma_semaphore, #tpu.memory_space<semaphore_mem>>, %arg9: memref<!tpu.dma_semaphore, #tpu.memory_space<semaphore_mem>>) attributes {dimension_semantics = [#tpu.dimension_semantics<core_parallel>, #tpu.dimension_semantics<subcore_parallel>], iteration_bounds = array<i64: 2, 16>, scalar_prefetch = 0 : i64, scratch_operands = 6 : i64, tpu.core_type = #tpu.core_type<sc_vector_subcore>, window_params = [{transform_indices = #map}, {transform_indices = #map}]} {
    %mul3A = arith.constant 2 : i32
    %mul3A_0 = arith.muli %arg1, %mul3A : i32
    %add3A = arith.addi %mul3A_0, %arg0 : i32
    %mul3A_1 = arith.constant 10000 : i32
    %mul3A_2 = arith.muli %add3A, %mul3A_1 : i32
    %add3A_3 = arith.constant 0 : i32
    %add3A_4 = arith.addi %mul3A_2, %add3A_3 : i32
    %dma_start3A = arith.constant 0 : i32
    %dma_start3A_5 = tpu.memref_slice %arg2[%add3A_4, %dma_start3A] : memref<320000x16xf32, #tpu.memory_space<hbm>> -> memref<2000x16xf32, #tpu.memory_space<hbm>>
    %dma_start3A_6 = arith.constant 0 : i32
    %dma_start3A_7 = tpu.memref_slice %arg2[%add3A_4, %dma_start3A_6] : memref<320000x16xf32, #tpu.memory_space<hbm>> -> memref<2000x16xf32, #tpu.memory_space<hbm>>
    tpu.enqueue_dma source(%dma_start3A_7 : memref<2000x16xf32, #tpu.memory_space<hbm>>) target(%arg4 : memref<2000x16xf32, #tpu.memory_space<vmem>>) target_semaphore(%arg6 : memref<!tpu.dma_semaphore, #tpu.memory_space<semaphore_mem>>)
    %add3A_8 = arith.constant 0 : i32
    %add3A_9 = arith.addi %mul3A_2, %add3A_8 : i32
    %dma_wait3A = arith.constant 0 : i32
    %dma_wait3A_10 = tpu.memref_slice %arg2[%add3A_9, %dma_wait3A] : memref<320000x16xf32, #tpu.memory_space<hbm>> -> memref<2000x16xf32, #tpu.memory_space<hbm>>
    %dma_wait3A_11 = arith.constant 0 : i32
    %dma_wait3A_12 = tpu.memref_slice %arg2[%add3A_9, %dma_wait3A_11] : memref<320000x16xf32, #tpu.memory_space<hbm>> -> memref<2000x16xf32, #tpu.memory_space<hbm>>
    tpu.wait_dma2 semaphore(%arg6 : memref<!tpu.dma_semaphore, #tpu.memory_space<semaphore_mem>>) src(%dma_wait3A_12 : memref<2000x16xf32, #tpu.memory_space<hbm>>) dst(%arg4 : memref<2000x16xf32, #tpu.memory_space<vmem>>)
    %add3A_13 = arith.constant 0 : i32
    %add3A_14 = arith.addi %mul3A_2, %add3A_13 : i32
    %dma_start3A_15 = arith.constant 0 : i32
    %dma_start3A_16 = tpu.memref_slice %arg3[%add3A_14, %dma_start3A_15] : memref<320000x16xf32, #tpu.memory_space<hbm>> -> memref<2000x16xf32, #tpu.memory_space<hbm>>
    %dma_start3A_17 = arith.constant 0 : i32
    %dma_start3A_18 = tpu.memref_slice %arg3[%add3A_14, %dma_start3A_17] : memref<320000x16xf32, #tpu.memory_space<hbm>> -> memref<2000x16xf32, #tpu.memory_space<hbm>>
    tpu.enqueue_dma source(%arg4 : memref<2000x16xf32, #tpu.memory_space<vmem>>) target(%dma_start3A_18 : memref<2000x16xf32, #tpu.memory_space<hbm>>) target_semaphore(%arg8 : memref<!tpu.dma_semaphore, #tpu.memory_space<semaphore_mem>>)
    %add3A_19 = arith.constant 2000 : i32
    %add3A_20 = arith.addi %mul3A_2, %add3A_19 : i32
    %dma_start3A_21 = arith.constant 0 : i32
    %dma_start3A_22 = tpu.memref_slice %arg2[%add3A_20, %dma_start3A_21] : memref<320000x16xf32, #tpu.memory_space<hbm>> -> memref<2000x16xf32, #tpu.memory_space<hbm>>
    %dma_start3A_23 = arith.constant 0 : i32
    %dma_start3A_24 = tpu.memref_slice %arg2[%add3A_20, %dma_start3A_23] : memref<320000x16xf32, #tpu.memory_space<hbm>> -> memref<2000x16xf32, #tpu.memory_space<hbm>>
    tpu.enqueue_dma source(%dma_start3A_24 : memref<2000x16xf32, #tpu.memory_space<hbm>>) target(%arg5 : memref<2000x16xf32, #tpu.memory_space<vmem>>) target_semaphore(%arg7 : memref<!tpu.dma_semaphore, #tpu.memory_space<semaphore_mem>>)
    %add3A_25 = arith.constant 2000 : i32
    %add3A_26 = arith.addi %mul3A_2, %add3A_25 : i32
    %dma_wait3A_27 = arith.constant 0 : i32
    %dma_wait3A_28 = tpu.memref_slice %arg2[%add3A_26, %dma_wait3A_27] : memref<320000x16xf32, #tpu.memory_space<hbm>> -> memref<2000x16xf32, #tpu.memory_space<hbm>>
    %dma_wait3A_29 = arith.constant 0 : i32
    %dma_wait3A_30 = tpu.memref_slice %arg2[%add3A_26, %dma_wait3A_29] : memref<320000x16xf32, #tpu.memory_space<hbm>> -> memref<2000x16xf32, #tpu.memory_space<hbm>>
    tpu.wait_dma2 semaphore(%arg7 : memref<!tpu.dma_semaphore, #tpu.memory_space<semaphore_mem>>) src(%dma_wait3A_30 : memref<2000x16xf32, #tpu.memory_space<hbm>>) dst(%arg5 : memref<2000x16xf32, #tpu.memory_space<vmem>>)
    %add3A_31 = arith.constant 2000 : i32
    %add3A_32 = arith.addi %mul3A_2, %add3A_31 : i32
    %dma_start3A_33 = arith.constant 0 : i32
    %dma_start3A_34 = tpu.memref_slice %arg3[%add3A_32, %dma_start3A_33] : memref<320000x16xf32, #tpu.memory_space<hbm>> -> memref<2000x16xf32, #tpu.memory_space<hbm>>
    %dma_start3A_35 = arith.constant 0 : i32
    %dma_start3A_36 = tpu.memref_slice %arg3[%add3A_32, %dma_start3A_35] : memref<320000x16xf32, #tpu.memory_space<hbm>> -> memref<2000x16xf32, #tpu.memory_space<hbm>>
    tpu.enqueue_dma source(%arg5 : memref<2000x16xf32, #tpu.memory_space<vmem>>) target(%dma_start3A_36 : memref<2000x16xf32, #tpu.memory_space<hbm>>) target_semaphore(%arg9 : memref<!tpu.dma_semaphore, #tpu.memory_space<semaphore_mem>>)
    %add3A_37 = arith.constant 0 : i32
    %add3A_38 = arith.addi %mul3A_2, %add3A_37 : i32
    %dma_wait3A_39 = arith.constant 0 : i32
    %dma_wait3A_40 = tpu.memref_slice %arg3[%add3A_38, %dma_wait3A_39] : memref<320000x16xf32, #tpu.memory_space<hbm>> -> memref<2000x16xf32, #tpu.memory_space<hbm>>
    %dma_wait3A_41 = arith.constant 0 : i32
    %dma_wait3A_42 = tpu.memref_slice %arg3[%add3A_38, %dma_wait3A_41] : memref<320000x16xf32, #tpu.memory_space<hbm>> -> memref<2000x16xf32, #tpu.memory_space<hbm>>
    tpu.wait_dma2 semaphore(%arg8 : memref<!tpu.dma_semaphore, #tpu.memory_space<semaphore_mem>>) src(%arg4 : memref<2000x16xf32, #tpu.memory_space<vmem>>) dst(%dma_wait3A_42 : memref<2000x16xf32, #tpu.memory_space<hbm>>)
    %add3A_43 = arith.constant 4000 : i32
    %add3A_44 = arith.addi %mul3A_2, %add3A_43 : i32
    %dma_start3A_45 = arith.constant 0 : i32
    %dma_start3A_46 = tpu.memref_slice %arg2[%add3A_44, %dma_start3A_45] : memref<320000x16xf32, #tpu.memory_space<hbm>> -> memref<2000x16xf32, #tpu.memory_space<hbm>>
    %dma_start3A_47 = arith.constant 0 : i32
    %dma_start3A_48 = tpu.memref_slice %arg2[%add3A_44, %dma_start3A_47] : memref<320000x16xf32, #tpu.memory_space<hbm>> -> memref<2000x16xf32, #tpu.memory_space<hbm>>
    tpu.enqueue_dma source(%dma_start3A_48 : memref<2000x16xf32, #tpu.memory_space<hbm>>) target(%arg4 : memref<2000x16xf32, #tpu.memory_space<vmem>>) target_semaphore(%arg6 : memref<!tpu.dma_semaphore, #tpu.memory_space<semaphore_mem>>)
    %add3A_49 = arith.constant 4000 : i32
    %add3A_50 = arith.addi %mul3A_2, %add3A_49 : i32
    %dma_wait3A_51 = arith.constant 0 : i32
    %dma_wait3A_52 = tpu.memref_slice %arg2[%add3A_50, %dma_wait3A_51] : memref<320000x16xf32, #tpu.memory_space<hbm>> -> memref<2000x16xf32, #tpu.memory_space<hbm>>
    %dma_wait3A_53 = arith.constant 0 : i32
    %dma_wait3A_54 = tpu.memref_slice %arg2[%add3A_50, %dma_wait3A_53] : memref<320000x16xf32, #tpu.memory_space<hbm>> -> memref<2000x16xf32, #tpu.memory_space<hbm>>
    tpu.wait_dma2 semaphore(%arg6 : memref<!tpu.dma_semaphore, #tpu.memory_space<semaphore_mem>>) src(%dma_wait3A_54 : memref<2000x16xf32, #tpu.memory_space<hbm>>) dst(%arg4 : memref<2000x16xf32, #tpu.memory_space<vmem>>)
    %add3A_55 = arith.constant 4000 : i32
    %add3A_56 = arith.addi %mul3A_2, %add3A_55 : i32
    %dma_start3A_57 = arith.constant 0 : i32
    %dma_start3A_58 = tpu.memref_slice %arg3[%add3A_56, %dma_start3A_57] : memref<320000x16xf32, #tpu.memory_space<hbm>> -> memref<2000x16xf32, #tpu.memory_space<hbm>>
    %dma_start3A_59 = arith.constant 0 : i32
    %dma_start3A_60 = tpu.memref_slice %arg3[%add3A_56, %dma_start3A_59] : memref<320000x16xf32, #tpu.memory_space<hbm>> -> memref<2000x16xf32, #tpu.memory_space<hbm>>
    tpu.enqueue_dma source(%arg4 : memref<2000x16xf32, #tpu.memory_space<vmem>>) target(%dma_start3A_60 : memref<2000x16xf32, #tpu.memory_space<hbm>>) target_semaphore(%arg8 : memref<!tpu.dma_semaphore, #tpu.memory_space<semaphore_mem>>)
    %add3A_61 = arith.constant 2000 : i32
    %add3A_62 = arith.addi %mul3A_2, %add3A_61 : i32
    %dma_wait3A_63 = arith.constant 0 : i32
    %dma_wait3A_64 = tpu.memref_slice %arg3[%add3A_62, %dma_wait3A_63] : memref<320000x16xf32, #tpu.memory_space<hbm>> -> memref<2000x16xf32, #tpu.memory_space<hbm>>
    %dma_wait3A_65 = arith.constant 0 : i32
    %dma_wait3A_66 = tpu.memref_slice %arg3[%add3A_62, %dma_wait3A_65] : memref<320000x16xf32, #tpu.memory_space<hbm>> -> memref<2000x16xf32, #tpu.memory_space<hbm>>
    tpu.wait_dma2 semaphore(%arg9 : memref<!tpu.dma_semaphore, #tpu.memory_space<semaphore_mem>>) src(%arg5 : memref<2000x16xf32, #tpu.memory_space<vmem>>) dst(%dma_wait3A_66 : memref<2000x16xf32, #tpu.memory_space<hbm>>)
    %add3A_67 = arith.constant 6000 : i32
    %add3A_68 = arith.addi %mul3A_2, %add3A_67 : i32
    %dma_start3A_69 = arith.constant 0 : i32
    %dma_start3A_70 = tpu.memref_slice %arg2[%add3A_68, %dma_start3A_69] : memref<320000x16xf32, #tpu.memory_space<hbm>> -> memref<2000x16xf32, #tpu.memory_space<hbm>>
    %dma_start3A_71 = arith.constant 0 : i32
    %dma_start3A_72 = tpu.memref_slice %arg2[%add3A_68, %dma_start3A_71] : memref<320000x16xf32, #tpu.memory_space<hbm>> -> memref<2000x16xf32, #tpu.memory_space<hbm>>
    tpu.enqueue_dma source(%dma_start3A_72 : memref<2000x16xf32, #tpu.memory_space<hbm>>) target(%arg5 : memref<2000x16xf32, #tpu.memory_space<vmem>>) target_semaphore(%arg7 : memref<!tpu.dma_semaphore, #tpu.memory_space<semaphore_mem>>)
    %add3A_73 = arith.constant 6000 : i32
    %add3A_74 = arith.addi %mul3A_2, %add3A_73 : i32
    %dma_wait3A_75 = arith.constant 0 : i32
    %dma_wait3A_76 = tpu.memref_slice %arg2[%add3A_74, %dma_wait3A_75] : memref<320000x16xf32, #tpu.memory_space<hbm>> -> memref<2000x16xf32, #tpu.memory_space<hbm>>
    %dma_wait3A_77 = arith.constant 0 : i32
    %dma_wait3A_78 = tpu.memref_slice %arg2[%add3A_74, %dma_wait3A_77] : memref<320000x16xf32, #tpu.memory_space<hbm>> -> memref<2000x16xf32, #tpu.memory_space<hbm>>
    tpu.wait_dma2 semaphore(%arg7 : memref<!tpu.dma_semaphore, #tpu.memory_space<semaphore_mem>>) src(%dma_wait3A_78 : memref<2000x16xf32, #tpu.memory_space<hbm>>) dst(%arg5 : memref<2000x16xf32, #tpu.memory_space<vmem>>)
    %add3A_79 = arith.constant 6000 : i32
    %add3A_80 = arith.addi %mul3A_2, %add3A_79 : i32
    %dma_start3A_81 = arith.constant 0 : i32
    %dma_start3A_82 = tpu.memref_slice %arg3[%add3A_80, %dma_start3A_81] : memref<320000x16xf32, #tpu.memory_space<hbm>> -> memref<2000x16xf32, #tpu.memory_space<hbm>>
    %dma_start3A_83 = arith.constant 0 : i32
    %dma_start3A_84 = tpu.memref_slice %arg3[%add3A_80, %dma_start3A_83] : memref<320000x16xf32, #tpu.memory_space<hbm>> -> memref<2000x16xf32, #tpu.memory_space<hbm>>
    tpu.enqueue_dma source(%arg5 : memref<2000x16xf32, #tpu.memory_space<vmem>>) target(%dma_start3A_84 : memref<2000x16xf32, #tpu.memory_space<hbm>>) target_semaphore(%arg9 : memref<!tpu.dma_semaphore, #tpu.memory_space<semaphore_mem>>)
    %add3A_85 = arith.constant 4000 : i32
    %add3A_86 = arith.addi %mul3A_2, %add3A_85 : i32
    %dma_wait3A_87 = arith.constant 0 : i32
    %dma_wait3A_88 = tpu.memref_slice %arg3[%add3A_86, %dma_wait3A_87] : memref<320000x16xf32, #tpu.memory_space<hbm>> -> memref<2000x16xf32, #tpu.memory_space<hbm>>
    %dma_wait3A_89 = arith.constant 0 : i32
    %dma_wait3A_90 = tpu.memref_slice %arg3[%add3A_86, %dma_wait3A_89] : memref<320000x16xf32, #tpu.memory_space<hbm>> -> memref<2000x16xf32, #tpu.memory_space<hbm>>
    tpu.wait_dma2 semaphore(%arg8 : memref<!tpu.dma_semaphore, #tpu.memory_space<semaphore_mem>>) src(%arg4 : memref<2000x16xf32, #tpu.memory_space<vmem>>) dst(%dma_wait3A_90 : memref<2000x16xf32, #tpu.memory_space<hbm>>)
    %add3A_91 = arith.constant 8000 : i32
    %add3A_92 = arith.addi %mul3A_2, %add3A_91 : i32
    %dma_start3A_93 = arith.constant 0 : i32
    %dma_start3A_94 = tpu.memref_slice %arg2[%add3A_92, %dma_start3A_93] : memref<320000x16xf32, #tpu.memory_space<hbm>> -> memref<2000x16xf32, #tpu.memory_space<hbm>>
    %dma_start3A_95 = arith.constant 0 : i32
    %dma_start3A_96 = tpu.memref_slice %arg2[%add3A_92, %dma_start3A_95] : memref<320000x16xf32, #tpu.memory_space<hbm>> -> memref<2000x16xf32, #tpu.memory_space<hbm>>
    tpu.enqueue_dma source(%dma_start3A_96 : memref<2000x16xf32, #tpu.memory_space<hbm>>) target(%arg4 : memref<2000x16xf32, #tpu.memory_space<vmem>>) target_semaphore(%arg6 : memref<!tpu.dma_semaphore, #tpu.memory_space<semaphore_mem>>)
    %add3A_97 = arith.constant 8000 : i32
    %add3A_98 = arith.addi %mul3A_2, %add3A_97 : i32
    %dma_wait3A_99 = arith.constant 0 : i32
    %dma_wait3A_100 = tpu.memref_slice %arg2[%add3A_98, %dma_wait3A_99] : memref<320000x16xf32, #tpu.memory_space<hbm>> -> memref<2000x16xf32, #tpu.memory_space<hbm>>
    %dma_wait3A_101 = arith.constant 0 : i32
    %dma_wait3A_102 = tpu.memref_slice %arg2[%add3A_98, %dma_wait3A_101] : memref<320000x16xf32, #tpu.memory_space<hbm>> -> memref<2000x16xf32, #tpu.memory_space<hbm>>
    tpu.wait_dma2 semaphore(%arg6 : memref<!tpu.dma_semaphore, #tpu.memory_space<semaphore_mem>>) src(%dma_wait3A_102 : memref<2000x16xf32, #tpu.memory_space<hbm>>) dst(%arg4 : memref<2000x16xf32, #tpu.memory_space<vmem>>)
    %add3A_103 = arith.constant 8000 : i32
    %add3A_104 = arith.addi %mul3A_2, %add3A_103 : i32
    %dma_start3A_105 = arith.constant 0 : i32
    %dma_start3A_106 = tpu.memref_slice %arg3[%add3A_104, %dma_start3A_105] : memref<320000x16xf32, #tpu.memory_space<hbm>> -> memref<2000x16xf32, #tpu.memory_space<hbm>>
    %dma_start3A_107 = arith.constant 0 : i32
    %dma_start3A_108 = tpu.memref_slice %arg3[%add3A_104, %dma_start3A_107] : memref<320000x16xf32, #tpu.memory_space<hbm>> -> memref<2000x16xf32, #tpu.memory_space<hbm>>
    tpu.enqueue_dma source(%arg4 : memref<2000x16xf32, #tpu.memory_space<vmem>>) target(%dma_start3A_108 : memref<2000x16xf32, #tpu.memory_space<hbm>>) target_semaphore(%arg8 : memref<!tpu.dma_semaphore, #tpu.memory_space<semaphore_mem>>)
    %add3A_109 = arith.constant 6000 : i32
    %add3A_110 = arith.addi %mul3A_2, %add3A_109 : i32
    %dma_wait3A_111 = arith.constant 0 : i32
    %dma_wait3A_112 = tpu.memref_slice %arg3[%add3A_110, %dma_wait3A_111] : memref<320000x16xf32, #tpu.memory_space<hbm>> -> memref<2000x16xf32, #tpu.memory_space<hbm>>
    %dma_wait3A_113 = arith.constant 0 : i32
    %dma_wait3A_114 = tpu.memref_slice %arg3[%add3A_110, %dma_wait3A_113] : memref<320000x16xf32, #tpu.memory_space<hbm>> -> memref<2000x16xf32, #tpu.memory_space<hbm>>
    tpu.wait_dma2 semaphore(%arg9 : memref<!tpu.dma_semaphore, #tpu.memory_space<semaphore_mem>>) src(%arg5 : memref<2000x16xf32, #tpu.memory_space<vmem>>) dst(%dma_wait3A_114 : memref<2000x16xf32, #tpu.memory_space<hbm>>)
    %add3A_115 = arith.constant 8000 : i32
    %add3A_116 = arith.addi %mul3A_2, %add3A_115 : i32
    %dma_wait3A_117 = arith.constant 0 : i32
    %dma_wait3A_118 = tpu.memref_slice %arg3[%add3A_116, %dma_wait3A_117] : memref<320000x16xf32, #tpu.memory_space<hbm>> -> memref<2000x16xf32, #tpu.memory_space<hbm>>
    %dma_wait3A_119 = arith.constant 0 : i32
    %dma_wait3A_120 = tpu.memref_slice %arg3[%add3A_116, %dma_wait3A_119] : memref<320000x16xf32, #tpu.memory_space<hbm>> -> memref<2000x16xf32, #tpu.memory_space<hbm>>
    tpu.wait_dma2 semaphore(%arg8 : memref<!tpu.dma_semaphore, #tpu.memory_space<semaphore_mem>>) src(%arg4 : memref<2000x16xf32, #tpu.memory_space<vmem>>) dst(%dma_wait3A_120 : memref<2000x16xf32, #tpu.memory_space<hbm>>)
    return
  }
}

module attributes {stable_mosaic.version = 14 : i64} {
  func.func @_copy_body(%arg0: i32, %arg1: memref<1000x128xf32, #tpu.memory_space<vmem>>, %arg2: memref<1000x128xf32, #tpu.memory_space<vmem>>) attributes {dimension_semantics = [#tpu.dimension_semantics<arbitrary>], iteration_bounds = array<i64: 10>, scalar_prefetch = 0 : i64, scratch_operands = 0 : i64, tpu.core_type = #tpu.core_type<tc>, window_params = [{transform_indices = @transform_0, window_bounds = array<i64: 1000, 128>}, {transform_indices = @transform_1, window_bounds = array<i64: 1000, 128>}]} {
    %get3A = arith.constant 0 : index
    %get3A_0 = arith.constant 0 : index
    %get3A_1 = vector.load %arg1[%get3A, %get3A_0] : memref<1000x128xf32, #tpu.memory_space<vmem>>, vector<1000x128xf32>
    %swap3A = arith.constant 0 : index
    %swap3A_2 = arith.constant 0 : index
    %swap3A_3 = vector.load %arg2[%swap3A, %swap3A_2] : memref<1000x128xf32, #tpu.memory_space<vmem>>, vector<1000x128xf32>
    tpu.vector_store %arg2[%swap3A, %swap3A_2], %get3A_1 {strides = array<i32>} : memref<1000x128xf32, #tpu.memory_space<vmem>>, vector<1000x128xf32>,
    return
  }
  func.func @transform_0(%arg0: i32) -> (i32, i32) {
    %c0_i32 = arith.constant 0 : i32
    %c0_i32_0 = arith.constant 0 : i32
    return %arg0, %c0_i32 : i32, i32
  }
  func.func @transform_1(%arg0: i32) -> (i32, i32) {
    %c0_i32 = arith.constant 0 : i32
    %c0_i32_0 = arith.constant 0 : i32
    return %arg0, %c0_i32 : i32, i32
  }
}

</mosaic_0001>

<sc_bundles>
// kernel: kernel.4.cloned.1.call-start
scs
__scs_entry_jumppad:
0x0: {  	(pc) =	sbr.rel $0x88, $3  }
0x1: {  	(tag) =	ssettag $0x0;
	lr =	simm.s32 $0x1  }
0x2: {  	[smem:$0x3F9F] =	sst lr;
	_ =	strace $0xD0000000  }
0x3: {  	_ = 	snop  }
0x4: {  	_ = 	snop  }
0x5: {  	_ = 	snop  }
0x6: {  	_ = 	snop  }
0x7: {  	_ = 	snop  }
__scs_overlays_trampoline_lowered:
0x8: {  	[smem:$0x3FAE] =	sst s0  }
0x9: {  	[smem:$0x3FAF] =	sst s1  }
0xa: {  	[smem:$0x3FB0] =	sst s2  }
0xb: {  	[smem:$0x3FB1] =	sst s3  }
0xc: {  	[smem:$0x3FB2] =	sst s4  }
0xd: {  	[smem:$0x3FB3] =	sst s5  }
0xe: {  	[smem:$0x3FB4] =	sst s6  }
0xf: {  	[smem:$0x3FB5] =	sst s7  }
0x10: {  	[smem:$0x3FB6] =	sst s8  }
0x11: {  	[smem:$0x3FB7] =	sst s9;
	s0 =	simm.s32 @!p0 $0x0  }
0x12: {  	s1 =	sld [smem:$0x3F9D];
	s0 =	simm.s32 @p0 $0x1  }
0x13: {  	[smem:$0x3FB8] =	sst s0;
	s0 =	simm.s32 @!p1 $0x0  }
0x14: {  	s2 =	sld [smem:$0x3F9C];
	s0 =	simm.s32 @p1 $0x1  }
0x15: {  	[smem:$0x3FB9] =	sst s0;
	s0 =	simm.s32 @!p2 $0x0  }
0x16: {  	s3 =	sld [smem:$0x3FDB];
	s0 =	simm.s32 @p2 $0x1  }
0x17: {  	s4 =	simm.s32 $0x1BF5;
	[smem:$0x3FBB] =	sst s0  }
0x18: {  	s0 =	sld [smem:$0x3F9E];
	_ =	swait.ge [sflag:s4], $0x0  }
0x19: {  	s7 =	sld [smem:$0x3F9F]  }
0x1a: {  	s8 =	sadd.s32 $0xFFFFE003, lr  }
0x1b: {  	s9 =	sadd.s32 $0xFFFFFEF7, lr;
	s5 =	simm.s32 $0xFFFFFFFF;
	p2 =	slt.u32 s8, $0xFFFFF086  }
0x1c: {  	p1 =	slt.u32 s9, $0xF7A;
	s5 =	simm.s32 @!p2 $0x0  }
0x1d: {  	s5 =	simm.s32 @p1 $0x1;
	p0 =	seq.s32 s7, s2  }
0x1e: {  	s7 =	smul.u32 @!p0 $0xF7A, s2;
	p2 =	seq.s32 @!p0 s5, $0x0  }
0x1f: {  	s9 =	smul.u32 $0xF7A, s1;
	s8 =	simm.s32 @!p0 $0x1BF5;
	p2 =	por !p2, p0  }
0x20: {  	[sflag:s8] =	ssyncset.s32 @!p0 $0xFFFFF086;
	s6 =	sadd.s32 @!p0 s3, s7;
	s7 =	simm.s32 @!p0 $0x108  }
0x21: {  	s3 =	sadd.s32 s3, s9;
	s6 =	sadd.s32 @!p0 $0x88, s6;
	s7 =	simm.s32 @p2 $0x1082  }
0x22: {  	[simem:s7], [sflag:s8] =	dma.local @!p0 [hbm:s6], $0xF7A  }
0x23: {  	s9 =	sor.u32 $0xD0000000, s2;
	s6 =	simm.s32 $0x108;
	_ =	swait.ge @!p0 [sflag:s8], $0x0  }
0x24: {  	s3 =	sadd.s32 $0x88, s3;
	s6 =	simm.s32 @!p1 $0x1082;
	[sflag:s4] =	ssyncset.s32 $0xFFFFF086  }
0x25: {  	[simem:s6], [sflag:s4] =	dma.local [hbm:s3], $0xF7A  }
0x26: {  	[smem:$0x3F9F] =	sst s1;
	(tag) =	ssettag s2;
	_ =	strace s9  }
0x27: {  	s1 =	sld [smem:$0x3FAF]  }
0x28: {  	s2 =	sld [smem:$0x3FB0]  }
0x29: {  	s4 =	sld [smem:$0x3FB2]  }
0x2a: {  	p0 =	seq.s32 s5, $0x0;
	s5 =	sld [smem:$0x3FB3]  }
0x2b: {  	s6 =	sld [smem:$0x3FB4]  }
0x2c: {  	s7 =	sld [smem:$0x3FB5]  }
0x2d: {  	s3 =	simm.s32 $0x108;
	s8 =	sld [smem:$0x3FB6]  }
0x2e: {  	s3 =	simm.s32 @!p0 $0x1082;
	s9 =	sld [smem:$0x3FB7]  }
0x2f: {  	lr =	sadd.s32 s0, s3;
	s0 =	sld [smem:$0x3FAE]  }
0x30: {  	s3 =	sld [smem:$0x3FB1]  }
0x31: {  	[smem:$0x3FBA] =	sst s10  }
0x32: {  	s10 =	sld [smem:$0x3FB8];
	_ =	sdelay $0x3  }
0x33: {  	p0 =	seq.s32 s10, $0x1;
	s10 =	sld [smem:$0x3FBA];
	_ =	sdelay $0x3  }
0x34: {  	[smem:$0x3FBA] =	sst s10  }
0x35: {  	s10 =	sld [smem:$0x3FB9];
	_ =	sdelay $0x3  }
0x36: {  	p1 =	seq.s32 s10, $0x1;
	s10 =	sld [smem:$0x3FBA];
	_ =	sdelay $0x3  }
0x37: {  	[smem:$0x3FBA] =	sst s10  }
0x38: {  	s10 =	sld [smem:$0x3FBB]  }
0x39: {  	_ = 	snop;
	(pc) =	sbr.ind lr, $3  }
0x3a: {  	_ = 	snop  }
0x3b: {  	_ = 	snop  }
0x3c: {  	p2 =	seq.s32 s10, $0x1;
	s10 =	sld [smem:$0x3FBA]  }
0x3d: {  	_ =	shalt  }
0x3e: {  	_ =	shalt  }
0x3f: {  	_ =	shalt  }
0x40: {  	_ =	shalt  }
0x41: {  	_ =	shalt  }
0x42: {  	_ =	shalt  }
0x43: {  	_ =	shalt  }
0x44: {  	_ =	shalt  }
0x45: {  	_ =	shalt  }
0x46: {  	_ =	shalt  }
0x47: {  	_ =	shalt  }
0x48: {  	_ =	shalt  }
0x49: {  	_ =	shalt  }
0x4a: {  	_ =	shalt  }
0x4b: {  	_ =	shalt  }
0x4c: {  	_ =	shalt  }
0x4d: {  	_ =	shalt  }
0x4e: {  	_ =	shalt  }
0x4f: {  	_ =	shalt  }
0x50: {  	_ =	shalt  }
0x51: {  	_ =	shalt  }
0x52: {  	_ =	shalt  }
0x53: {  	_ =	shalt  }
0x54: {  	_ =	shalt  }
0x55: {  	_ =	shalt  }
0x56: {  	_ =	shalt  }
0x57: {  	_ =	shalt  }
0x58: {  	_ =	shalt  }
0x59: {  	_ =	shalt  }
0x5a: {  	_ =	shalt  }
0x5b: {  	_ =	shalt  }
0x5c: {  	_ =	shalt  }
0x5d: {  	_ =	shalt  }
0x5e: {  	_ =	shalt  }
0x5f: {  	_ =	shalt  }
0x60: {  	_ =	shalt  }
0x61: {  	_ =	shalt  }
0x62: {  	_ =	shalt  }
0x63: {  	_ =	shalt  }
0x64: {  	_ =	shalt  }
0x65: {  	_ =	shalt  }
0x66: {  	_ =	shalt  }
0x67: {  	_ =	shalt  }
0x68: {  	_ =	shalt  }
0x69: {  	_ =	shalt  }
0x6a: {  	_ =	shalt  }
0x6b: {  	_ =	shalt  }
0x6c: {  	_ =	shalt  }
0x6d: {  	_ =	shalt  }
0x6e: {  	_ =	shalt  }
0x6f: {  	_ =	shalt  }
0x70: {  	_ =	shalt  }
0x71: {  	_ =	shalt  }
0x72: {  	_ =	shalt  }
0x73: {  	_ =	shalt  }
0x74: {  	_ =	shalt  }
0x75: {  	_ =	shalt  }
0x76: {  	_ =	shalt  }
0x77: {  	_ =	shalt  }
0x78: {  	_ =	shalt  }
0x79: {  	_ =	shalt  }
0x7a: {  	_ =	shalt  }
0x7b: {  	_ =	shalt  }
0x7c: {  	_ =	shalt  }
0x7d: {  	_ =	shalt  }
0x7e: {  	_ =	shalt  }
0x7f: {  	_ =	shalt  }
0x80: {  	_ =	shalt  }
0x81: {  	_ =	shalt  }
0x82: {  	_ =	shalt  }
0x83: {  	_ =	shalt  }
0x84: {  	_ =	shalt  }
0x85: {  	_ =	shalt  }
0x86: {  	_ =	shalt  }
0x87: {  	_ =	shalt  }
.Lfunc_end0:
.L_simem_size_0:
called_computation_lowered:
.L_overlay_start_0:
0x88: {  	s2 =	sld [smem:$0x3FD9]  }
0x89: {  	s3 =	sld [smem:$0x3FFE];
	_ =	sdelay $0x1  }
0x8a: {  	s1 =	srdreg.scid  }
0x8b: {  	s0 =	sand.u32 $0x1, s1  }
0x8c: {  	s14 =	sshll.u32 s0, $0xA;
	s2 =	sadd.s32 s3, s2  }
0x8d: {  	s2 =	sadd.s32 s2, s14  }
0x8e: {  	[smem:$0x3FC6] =	sst s2  }
0x8f: {  	_ = 	snop  }
0x90: {  	s2 =	sld [smem:$0x3FD0];
	_ =	sdelay $0x2  }
0x91: {  	s15 =	simm.s32 $0xA;
	s4 =	simm.s32 $0x10  }
0x92: {  	[smem:s4], [sflag:s15] =	dma.local [hbm:s2], $0x1  }
0x93: {  	_ =	swait.eq [sflag:s15], $0x1  }
0x94: {  	[sflag:s15] =	ssyncset.done $0x0  }
0x95: {  	[sflag:s15] =	ssyncadd.s32 $0xFFFFFFFF  }
0x96: {  	s16 =	sld [smem:$0x11];
	(tm) =	ssettm $0x1  }
0x97: {  	s17 =	sld [smem:$0x3FFB];
	_ =	sdelay $0x3  }
0x98: {  	_ =	strace s17  }
0x99: {  	s3 =	sld [smem:$0x3FFC];
	_ =	sdelay $0x3  }
0x9a: {  	_ =	strace s3  }
0x9b: {  	s3 =	sld [smem:$0x3FFD];
	_ =	sdelay $0x3  }
0x9c: {  	_ =	strace s3  }
0x9d: {  	_ =	strace $0x8FFFFFFF  }
0x9e: {  	s18 =	sld [smem:$0x3FDB];
	_ =	sdelay $0x1  }
0x9f: {  	s19 =	simm.s32 $_scs_section_size  }
0xa0: {  	s5 =	simm.s32 $_size__tile_overlayer_lowered;
	s6 =	simm.s32 $_tile_overlayer_lowered  }
0xa1: {  	s22 =	simm.s32 $0x1BFF;
	s21 =	sshll.u32 s6, $0x1;
	s3 =	sadd.s32 s19, s18  }
0xa2: {  	s7 =	simm.s32 $0x0;
	s20 =	sshll.u32 s5, $0x1;
	s5 =	sadd.s32 s21, s3  }
0xa3: {  	[timem:s7], [sflag:s22] =	dma.local [hbm:s5], s20  }
0xa4: {  	_ =	swait.ge [sflag:s22], s20  }
0xa5: {  	s4 =	ssub.s32 $0x0, s20;
	[sflag:s22] =	ssyncset.done $0x0  }
0xa6: {  	[sflag:s22] =	ssyncadd.s32 s4;
	_ =	sdelay $0x1  }
0xa7: {  	s23 =	simm.s32 $0x1B8B  }
0xa8: {  	_ =	swait.ge [sflag:s23], $0x1  }
0xa9: {  	[sflag:s23] =	ssyncset.done $0x0  }
0xaa: {  	s25 =	simm.s32 $0x1B8E;
	s24 =	sld [smem:$0x3FFE];
	[sflag:s23] =	ssyncadd.s32 $0xFFFFFFFF  }
0xab: {  	s26 =	simm.s32 $execute0_lowered;
	[smem:$0x3FD2] =	sst s25  }
0xac: {  	s5 =	sshll.u32 s26, $0x1;
	_ =	strace $0x80000046;
	[dreg:$0x1] =	wrdreg $0xFFFFFFFF  }
0xad: {  	s28 =	simm.s32 $_size_execute0_lowered;
	s3 =	sadd.s32 s3, s5;
	[dreg:$0x0] =	wrdreg $0x0  }
0xae: {  	s5 =	sshll.u32 s28, $0x1;
	[dreg:$0x2] =	wrdreg s3  }
0xaf: {  	[dreg:$0x3] =	wrdreg s5  }
0xb0: {  	[dreg:$0x4] =	wrdreg $0xC0  }
0xb1: {  	_ =	task [dreg:s7], $0x5FFFF  }
0xb2: {  	[dreg:$0x1] =	wrdreg $0xFFFFFFFF  }
0xb3: {  	[dreg:$0x0] =	wrdreg $0x60  }
0xb4: {  	[dreg:$0x2] =	wrdreg s16  }
0xb5: {  	[dreg:$0x3] =	wrdreg s24  }
0xb6: {  	[dreg:$0x4] =	wrdreg $0x9  }
0xb7: {  	_ =	task.clear_ibuf [dreg:s7], $0x5FFFF;
	_ =	strace $0x90000046  }
0xb8: {  	s29 =	simm.s32 $0x9;
	_ =	strace $0x80000048  }
0xb9: {  	_ =	swait.ge [sflag:s29], $0x1  }
0xba: {  	[sflag:s29] =	ssyncadd.s32 $0xFFFFFFFF  }
0xbb: {  	_ =	strace $0x90000048  }
0xbc: {  	_ =	sfence  }
0xbd: {  	s30 =	sld [smem:$0x0];
	_ =	sdelay $0x2  }
0xbe: {  	s31 =	sshll.u32 s1, $0xD;
	s1 =	sshrl.u32 s1, $0x2  }
0xbf: {  	s3 =	sand.u32 $0x4000, s31;
	s1 =	sadd.s32 s1, s30  }
0xc0: {  	s0 =	sor.u32 s3, s0;
	s1 =	sshll.u32 s1, $0x11  }
0xc1: {  	s0 =	sor.u32 s1, s0  }
0xc2: {  	s0 =	sadd.s32 $0x8F2B, s0  }
0xc3: {  	[sflag:s0] =	ssyncadd.remote.s32 $0x1  }
0xc4: {  	_ =	sfence.sel $0xFFFF  }
0xc5: {  	[dreg:$0x0] =	wrdreg $0xFFFFFFFF;
	(pc) =	sbr.abs _section_cstart, $3  }
0xc6: {  	[dreg:$0x1] =	wrdreg $0xFFFFFFFF  }
0xc7: {  	_ =	task.clear_ibuf [dreg:s7], $0x2FFFF;
	_ =	strace $0x9FFFFFFF  }
0xc8: {  	(tm) =	ssettm $0x7FFFFFFF  }
0xc9: {  	_ =	shalt  }
tec
execute0_lowered:
.L_overlay_start_1:
0x0: {  	(tag) =	ssettag $0x1  }
0x1: {  	s1 =	srdreg.scid;
	s0 =	stileid.u32  }
0x2: {  	s16 =	rddreg [dreg:$0x0];
	s17 =	sand.u32 $0x1, s1;
	s3 =	sshll.u32 s0, $0x1  }
0x3: {  	s5 =	rddreg [dreg:$0x1];
	s2 =	simm.s32 $0x0;
	s4 =	sor.u32 s17, s3  }
0x4: {  	[smem:$0x7FF] =	sst s2;
	s6 =	smul.u32 $0x4E20, s4  }
0x5: {  	s1 =	rddreg [dreg:$0x2];
	_ =	strace $0x80000047  }
0x6: {  	s7 =	smul.u32 $0x27100, s4;
	s4 =	simm.s32 $0x1;
	s3 =	sadd.s32 s16, s6  }
0x7: {  	[tilespmem:s2], [sflag:$0x1] =	stream.linear.gather [hbm4b:s3+s2], $0x7D00, $0x38;
	[tilespmem:$0xFA00] =	vst v63  }
0x8: {  	_ =	swait.ge [sflag:s4], $0x7D00  }
0x9: {  	s18 =	sadd.s32 $0xC00, s5;
	s19 =	sshrl.u32 s7, $0x3;
	[sflag:s4] =	ssyncset.done $0x0  }
0xa: {  	s5 =	sadd.s32 s18, s6;
	s9 =	sadd.s32 $0xFA0, s19;
	[sflag:s4] =	ssyncadd.s32 $0xFFFF8300  }
0xb: {  	[hbm4b:s5+s2] =	stream.linear.scatter [tilespmem:s2], [sflag:$0x3], $0x7D00, $0x38;
	[tilespmem:$0xFA00] =	vst v63  }
0xc: {  	s8 =	simm.s32 $0x2;
	s7 =	simm.s32 $0x7D00;
	s6 =	sadd.s32 s16, s9  }
0xd: {  	[tilespmem:s7], [sflag:$0x2] =	stream.linear.gather [hbm4b:s6+s2], $0x7D00, $0x38;
	[tilespmem:$0xFA00] =	vst v63  }
0xe: {  	_ =	swait.ge [sflag:s8], $0x7D00  }
0xf: {  	[sflag:s8] =	ssyncset.done $0x0  }
0x10: {  	s10 =	sadd.s32 s18, s9;
	s9 =	simm.s32 $0x3;
	[sflag:s8] =	ssyncadd.s32 $0xFFFF8300  }
0x11: {  	[hbm4b:s10+s2] =	stream.linear.scatter [tilespmem:s7], [sflag:$0x4], $0x7D00, $0x38;
	[tilespmem:$0xFA00] =	vst v63  }
0x12: {  	_ =	swait.ge [sflag:s9], $0x7D00  }
0x13: {  	s12 =	sadd.s32 $0x1F40, s19;
	[sflag:s9] =	ssyncset.done $0x0  }
0x14: {  	s11 =	sadd.s32 s16, s12;
	[sflag:s9] =	ssyncadd.s32 $0xFFFF8300  }
0x15: {  	[tilespmem:s2], [sflag:$0x1] =	stream.linear.gather [hbm4b:s11+s2], $0x7D00, $0x38;
	[tilespmem:$0xFA00] =	vst v63  }
0x16: {  	_ =	swait.ge [sflag:s4], $0x7D00  }
0x17: {  	[sflag:s4] =	ssyncset.done $0x0  }
0x18: {  	s13 =	simm.s32 $0x4;
	s12 =	sadd.s32 s18, s12;
	[sflag:s4] =	ssyncadd.s32 $0xFFFF8300  }
0x19: {  	[hbm4b:s12+s2] =	stream.linear.scatter [tilespmem:s2], [sflag:$0x3], $0x7D00, $0x38;
	[tilespmem:$0xFA00] =	vst v63  }
0x1a: {  	_ =	swait.ge [sflag:s13], $0x7D00  }
0x1b: {  	s15 =	sadd.s32 $0x2EE0, s19;
	[sflag:s13] =	ssyncset.done $0x0  }
0x1c: {  	s14 =	sadd.s32 s16, s15;
	[sflag:s13] =	ssyncadd.s32 $0xFFFF8300  }
0x1d: {  	[tilespmem:s7], [sflag:$0x2] =	stream.linear.gather [hbm4b:s14+s2], $0x7D00, $0x38;
	[tilespmem:$0xFA00] =	vst v63  }
0x1e: {  	_ =	swait.ge [sflag:s8], $0x7D00  }
0x1f: {  	[sflag:s8] =	ssyncset.done $0x0  }
0x20: {  	s15 =	sadd.s32 s18, s15;
	[sflag:s8] =	ssyncadd.s32 $0xFFFF8300  }
0x21: {  	[hbm4b:s15+s2] =	stream.linear.scatter [tilespmem:s7], [sflag:$0x4], $0x7D00, $0x38;
	[tilespmem:$0xFA00] =	vst v63  }
0x22: {  	_ =	swait.ge [sflag:s9], $0x7D00  }
0x23: {  	s20 =	ssub.s32 $0x2, s17;
	s19 =	sadd.s32 $0x3E80, s19;
	[sflag:s9] =	ssyncset.done $0x0  }
0x24: {  	s31 =	sshrl.u32 s20, $0x1;
	s16 =	sadd.s32 s16, s19;
	[sflag:s9] =	ssyncadd.s32 $0xFFFF8300  }
0x25: {  	[tilespmem:s2], [sflag:$0x1] =	stream.linear.gather [hbm4b:s16+s2], $0x7D00, $0x38;
	[tilespmem:$0xFA00] =	vst v63  }
0x26: {  	s17 =	sadd.s32 s18, s19;
	s18 =	ssub.s32 s20, s31;
	_ =	swait.ge [sflag:s4], $0x7D00  }
0x27: {  	s18 =	smax.u32 s18, $0x1;
	[sflag:s4] =	ssyncset.done $0x0  }
0x28: {  	p0 =	sne.s32 s18, $0x1;
	[sflag:s4] =	ssyncadd.s32 $0xFFFF8300  }
0x29: {  	[hbm4b:s17+s2] =	stream.linear.scatter [tilespmem:s2], [sflag:$0x3], $0x7D00, $0x38;
	[tilespmem:$0xFA00] =	vst v63  }
.Ltmp0:
0x2a: {  	_ =	swait.ge [sflag:s13], $0x7D00;
	(pc) =	sbr.rel @!p0 .LBB2_2-.Ltmp0, $4  }
0x2b: {  	[sflag:s13] =	ssyncset.done $0x0  }
0x2c: {  	[sflag:s13] =	ssyncadd.s32 $0xFFFF8300  }
0x2d: {  	_ =	swait.ge [sflag:s9], $0x7D00  }
0x2e: {  	s18 =	sadd.s32 $0xFFFFFFFF, s18;
	[sflag:s9] =	ssyncset.done $0x0  }
.LBB2_1:
0x2f: {  	p0 =	sne.s32 s18, $0x1;
	s18 =	sadd.s32 $0xFFFFFFFF, s18;
	[sflag:s9] =	ssyncadd.s32 $0xFFFF8300  }
0x30: {  	[tilespmem:s2], [sflag:$0x1] =	stream.linear.gather [hbm4b:s3+s2], $0x7D00, $0x38;
	[tilespmem:$0xFA00] =	vst v63  }
0x31: {  	_ =	swait.ge [sflag:s4], $0x7D00  }
0x32: {  	[sflag:s4] =	ssyncset.done $0x0  }
0x33: {  	[sflag:s4] =	ssyncadd.s32 $0xFFFF8300  }
0x34: {  	[hbm4b:s5+s2] =	stream.linear.scatter [tilespmem:s2], [sflag:$0x3], $0x7D00, $0x38;
	[tilespmem:$0xFA00] =	vst v63  }
0x35: {  	_ = 	snop  }
0x36: {  	[tilespmem:s7], [sflag:$0x2] =	stream.linear.gather [hbm4b:s6+s2], $0x7D00, $0x38;
	[tilespmem:$0xFA00] =	vst v63  }
0x37: {  	_ =	swait.ge [sflag:s8], $0x7D00  }
0x38: {  	[sflag:s8] =	ssyncset.done $0x0  }
0x39: {  	[sflag:s8] =	ssyncadd.s32 $0xFFFF8300  }
0x3a: {  	[hbm4b:s10+s2] =	stream.linear.scatter [tilespmem:s7], [sflag:$0x4], $0x7D00, $0x38;
	[tilespmem:$0xFA00] =	vst v63  }
0x3b: {  	_ =	swait.ge [sflag:s9], $0x7D00  }
0x3c: {  	[sflag:s9] =	ssyncset.done $0x0  }
0x3d: {  	[sflag:s9] =	ssyncadd.s32 $0xFFFF8300  }
0x3e: {  	[tilespmem:s2], [sflag:$0x1] =	stream.linear.gather [hbm4b:s11+s2], $0x7D00, $0x38;
	[tilespmem:$0xFA00] =	vst v63  }
0x3f: {  	_ =	swait.ge [sflag:s4], $0x7D00  }
0x40: {  	[sflag:s4] =	ssyncset.done $0x0  }
0x41: {  	[sflag:s4] =	ssyncadd.s32 $0xFFFF8300  }
0x42: {  	[hbm4b:s12+s2] =	stream.linear.scatter [tilespmem:s2], [sflag:$0x3], $0x7D00, $0x38;
	[tilespmem:$0xFA00] =	vst v63  }
0x43: {  	_ =	swait.ge [sflag:s13], $0x7D00  }
0x44: {  	[sflag:s13] =	ssyncset.done $0x0  }
0x45: {  	[sflag:s13] =	ssyncadd.s32 $0xFFFF8300  }
0x46: {  	[tilespmem:s7], [sflag:$0x2] =	stream.linear.gather [hbm4b:s14+s2], $0x7D00, $0x38;
	[tilespmem:$0xFA00] =	vst v63  }
0x47: {  	_ =	swait.ge [sflag:s8], $0x7D00  }
0x48: {  	[sflag:s8] =	ssyncset.done $0x0  }
0x49: {  	[sflag:s8] =	ssyncadd.s32 $0xFFFF8300  }
0x4a: {  	[hbm4b:s15+s2] =	stream.linear.scatter [tilespmem:s7], [sflag:$0x4], $0x7D00, $0x38;
	[tilespmem:$0xFA00] =	vst v63  }
0x4b: {  	_ =	swait.ge [sflag:s9], $0x7D00  }
0x4c: {  	[sflag:s9] =	ssyncset.done $0x0  }
0x4d: {  	[sflag:s9] =	ssyncadd.s32 $0xFFFF8300  }
0x4e: {  	[tilespmem:s2], [sflag:$0x1] =	stream.linear.gather [hbm4b:s16+s2], $0x7D00, $0x38;
	[tilespmem:$0xFA00] =	vst v63  }
0x4f: {  	_ =	swait.ge [sflag:s4], $0x7D00  }
0x50: {  	[sflag:s4] =	ssyncset.done $0x0  }
0x51: {  	[sflag:s4] =	ssyncadd.s32 $0xFFFF8300  }
0x52: {  	[hbm4b:s17+s2] =	stream.linear.scatter [tilespmem:s2], [sflag:$0x3], $0x7D00, $0x38;
	[tilespmem:$0xFA00] =	vst v63  }
.Ltmp1:
0x53: {  	_ =	swait.ge [sflag:s13], $0x7D00;
	(pc) =	sbr.rel @p0 .LBB2_1-.Ltmp1, $4  }
0x54: {  	[sflag:s13] =	ssyncset.done $0x0  }
0x55: {  	[sflag:s13] =	ssyncadd.s32 $0xFFFF8300  }
0x56: {  	_ =	swait.ge [sflag:s9], $0x7D00  }
0x57: {  	[sflag:s9] =	ssyncset.done $0x0  }
.LBB2_2:
0x58: {  	[sflag:s9] =	ssyncadd.s32 $0xFFFF8300  }
0x59: {  	_ =	sfence.sel $0x180000  }
0x5a: {  	[bflag:$0x0] =	sbarrier.arrive $0xFFFF  }
0x5b: {  	p0 =	sne.s32 s0, $0x0;
	_ =	strace $0x90000047  }
0x5c: {  	s0 =	sadd.s32 @!p0 $0x100000, s1;
	[bflag:$0x2] =	sbarrier.arrive $0xFFFF  }
0x5d: {  	[sflag:s0] =	ssyncadd.tile.s32 @!p0 $0x1;
	_ =	shalt  }
.Lfunc_end2:
_tile_overlayer_lowered:
.L_overlay_start_2:
0x5e: {  	(tag) =	ssettag $0x2  }
0x5f: {  	s0 =	rddreg [dreg:$0x0];
	s2 =	stileid.u32  }
0x60: {  	s1 =	rddreg [dreg:$0x1];
	p0 =	sne.s32 s2, $0x0  }
0x61: {  	s3 =	rddreg [dreg:$0x2];
	[bflag:$0x3] =	sbarrier.arrive $0xFFFF;
	s2 =	simm.s32 @!p0 $0x1C05  }
0x62: {  	[timem:s3], [sflag:s2] =	dma.local @!p0 [hbm:s0], s1  }
0x63: {  	s0 =	simm.s32 @!p0 $0x5  }
0x64: {  	_ =	swait.ge @!p0 [sflag:s0], s1  }
0x65: {  	s1 =	ssub.s32 @!p0 $0x0, s1;
	[sflag:s0] =	ssyncset.done @!p0 $0x0  }
0x66: {  	[sflag:s0] =	ssyncadd.s32 @!p0 s1  }
0x67: {  	[bflag:$0x3] =	sbarrier.arrive $0xFFFF  }
0x68: {  	_ =	shalt  }

</sc_bundles>
